<compile_context>
chip_gen: v7x
topology: tpu7x:2x2x1
jax: 0.10.2.dev20260603
libtpu: 0.0.44.dev20260713+nightly
codegen_flags: <defaults>
</compile_context>

<pallas_src>
import jax
import jax.numpy as jnp
from jax.experimental import pallas as pl
from jax.experimental.pallas import tpu as pltpu

N_ROWS = 65536
IN_DIM = 10
OUT_DIM = 150
PACK = 8
M_PACKED = N_ROWS // PACK
K_PACKED = IN_DIM * PACK
BLOCK_M = 1024


def _matmul_block(x_ref, w_ref, o_ref):
    for u in range(PACK):
        o_ref[:, u, :] = jax.lax.dot_general(
            x_ref[:, u * IN_DIM:(u + 1) * IN_DIM],
            w_ref[...],
            dimension_numbers=(((1,), (0,)), ((), ())),
            preferred_element_type=jnp.float32,
        )


@jax.jit
def kernel(sparse_matrix, dense_matrix):
    x_packed = sparse_matrix.reshape(M_PACKED, K_PACKED)
    out3 = pl.pallas_call(
        _matmul_block,
        grid=(M_PACKED // BLOCK_M,),
        in_specs=[
            pl.BlockSpec((BLOCK_M, K_PACKED), lambda i: (i, 0)),
            pl.BlockSpec((IN_DIM, OUT_DIM), lambda i: (0, 0)),
        ],
        out_specs=pl.BlockSpec((BLOCK_M, PACK, OUT_DIM), lambda i: (i, 0, 0)),
        out_shape=jax.ShapeDtypeStruct((M_PACKED, PACK, OUT_DIM), jnp.float32),
        compiler_params=pltpu.CompilerParams(
            dimension_semantics=("parallel",),
        ),
    )(x_packed, dense_matrix)
    return out3.reshape(N_ROWS, OUT_DIM)

# --- scband reference (transcript-rebuilt; emitter-appended) ---
"""Pipeline reference for scband-my-model-61933428408986 (READ-ONLY COPY).

The authoritative reference and input builder live on the scoring server;
editing this copy changes nothing except your own understanding.
"""

import jax, jax.numpy as jnp
import numpy as np

N_ROWS = 65536
IN_DIM = 10
OUT_DIM = 150


def setup_inputs(seed: int = 0) -> dict:
    key = jax.random.key(seed)
    k1, k2 = jax.random.split(key, 2)
    sparse_matrix = jax.random.normal(k1, (N_ROWS, IN_DIM), dtype=jnp.float32)
    # xavier_normal_ init for dense_matrix of shape (10, 150): std = sqrt(2/(fan_in+fan_out))
    std = float(np.sqrt(2.0 / (IN_DIM + OUT_DIM)))
    dense_matrix = jax.random.normal(k2, (IN_DIM, OUT_DIM), dtype=jnp.float32) * std
    return {"sparse_matrix": sparse_matrix, "dense_matrix": dense_matrix}


def reference(sparse_matrix, dense_matrix):
    # torch.sparse.mm(sparse_matrix, dense_matrix) computes an ordinary
    # matrix product; the sparse layout is only a storage optimization.
    return jnp.dot(sparse_matrix, dense_matrix)

if __name__ == "__main__":
    import jax
    _d = setup_inputs()
    print(jax.jit(kernel)(*tuple(_d.values())))

</pallas_src>

<mosaic_0001>
module attributes {stable_mosaic.version = 14 : i64} {
  func.func @_matmul_block(%arg0: i32, %arg1: memref<1024x80xf32, #tpu.memory_space<vmem>>, %arg2: memref<10x150xf32, #tpu.memory_space<vmem>>, %arg3: memref<1024x8x150xf32, #tpu.memory_space<vmem>>) attributes {dimension_semantics = [#tpu.dimension_semantics<parallel>], iteration_bounds = array<i64: 8>, scalar_prefetch = 0 : i64, scratch_operands = 0 : i64, tpu.core_type = #tpu.core_type<tc>, window_params = [{transform_indices = @transform_0, window_bounds = array<i64: 1024, 80>}, {pipeline_mode = #tpu.pipeline_mode<synchronous>, transform_indices = @transform_1, window_bounds = array<i64: 10, 150>}, {transform_indices = @transform_2, window_bounds = array<i64: 1024, 8, 150>}]} {
    %get3A = arith.constant 0 : index
    %get3A_0 = arith.constant 0 : index
    %get3A_1 = vector.load %arg1[%get3A, %get3A_0] : memref<1024x80xf32, #tpu.memory_space<vmem>>, vector<1024x10xf32>
    %get3A_2 = arith.constant 0 : index
    %get3A_3 = arith.constant 0 : index
    %get3A_4 = vector.load %arg2[%get3A_2, %get3A_3] : memref<10x150xf32, #tpu.memory_space<vmem>>, vector<10x150xf32>
    %dot_general3A = arith.constant dense<0.000000e+00> : vector<1024x150xf32>
    %dot_general3A_5 = tpu.matmul %get3A_1, %get3A_4, %dot_general3A {dimension_numbers = #tpu.dot_dimension_numbers<[1], [0], [0], [1], [0, 0, 1, 1], [], []>, transpose_lhs_hint = false} : vector<1024x10xf32>, vector<10x150xf32>, vector<1024x150xf32> -> vector<1024x150xf32>
    %swap3A = arith.constant 0 : index
    %swap3A_6 = arith.constant 0 : index
    %swap3A_7 = arith.constant 0 : index
    %swap3A_8 = vector.load %arg3[%swap3A, %swap3A_6, %swap3A_7] : memref<1024x8x150xf32, #tpu.memory_space<vmem>>, vector<1024x1x150xf32>
    %swap3A_9 = vector.shape_cast %swap3A_8 : vector<1024x1x150xf32> to vector<1024x150xf32>
    %swap3A_10 = vector.shape_cast %dot_general3A_5 : vector<1024x150xf32> to vector<1024x1x150xf32>
    tpu.vector_store %arg3[%swap3A, %swap3A_6, %swap3A_7], %swap3A_10 {strides = array<i32>} : memref<1024x8x150xf32, #tpu.memory_space<vmem>>, vector<1024x1x150xf32>,
    %get3A_11 = arith.constant 0 : index
    %get3A_12 = arith.constant 10 : index
    %get3A_13 = vector.load %arg1[%get3A_11, %get3A_12] : memref<1024x80xf32, #tpu.memory_space<vmem>>, vector<1024x10xf32>
    %get3A_14 = arith.constant 0 : index
    %get3A_15 = arith.constant 0 : index
    %get3A_16 = vector.load %arg2[%get3A_14, %get3A_15] : memref<10x150xf32, #tpu.memory_space<vmem>>, vector<10x150xf32>
    %dot_general3A_17 = arith.constant dense<0.000000e+00> : vector<1024x150xf32>
    %dot_general3A_18 = tpu.matmul %get3A_13, %get3A_16, %dot_general3A_17 {dimension_numbers = #tpu.dot_dimension_numbers<[1], [0], [0], [1], [0, 0, 1, 1], [], []>, transpose_lhs_hint = false} : vector<1024x10xf32>, vector<10x150xf32>, vector<1024x150xf32> -> vector<1024x150xf32>
    %swap3A_19 = arith.constant 0 : index
    %swap3A_20 = arith.constant 1 : index
    %swap3A_21 = arith.constant 0 : index
    %swap3A_22 = vector.load %arg3[%swap3A_19, %swap3A_20, %swap3A_21] : memref<1024x8x150xf32, #tpu.memory_space<vmem>>, vector<1024x1x150xf32>
    %swap3A_23 = vector.shape_cast %swap3A_22 : vector<1024x1x150xf32> to vector<1024x150xf32>
    %swap3A_24 = vector.shape_cast %dot_general3A_18 : vector<1024x150xf32> to vector<1024x1x150xf32>
    tpu.vector_store %arg3[%swap3A_19, %swap3A_20, %swap3A_21], %swap3A_24 {strides = array<i32>} : memref<1024x8x150xf32, #tpu.memory_space<vmem>>, vector<1024x1x150xf32>,
    %get3A_25 = arith.constant 0 : index
    %get3A_26 = arith.constant 20 : index
    %get3A_27 = vector.load %arg1[%get3A_25, %get3A_26] : memref<1024x80xf32, #tpu.memory_space<vmem>>, vector<1024x10xf32>
    %get3A_28 = arith.constant 0 : index
    %get3A_29 = arith.constant 0 : index
    %get3A_30 = vector.load %arg2[%get3A_28, %get3A_29] : memref<10x150xf32, #tpu.memory_space<vmem>>, vector<10x150xf32>
    %dot_general3A_31 = arith.constant dense<0.000000e+00> : vector<1024x150xf32>
    %dot_general3A_32 = tpu.matmul %get3A_27, %get3A_30, %dot_general3A_31 {dimension_numbers = #tpu.dot_dimension_numbers<[1], [0], [0], [1], [0, 0, 1, 1], [], []>, transpose_lhs_hint = false} : vector<1024x10xf32>, vector<10x150xf32>, vector<1024x150xf32> -> vector<1024x150xf32>
    %swap3A_33 = arith.constant 0 : index
    %swap3A_34 = arith.constant 2 : index
    %swap3A_35 = arith.constant 0 : index
    %swap3A_36 = vector.load %arg3[%swap3A_33, %swap3A_34, %swap3A_35] : memref<1024x8x150xf32, #tpu.memory_space<vmem>>, vector<1024x1x150xf32>
    %swap3A_37 = vector.shape_cast %swap3A_36 : vector<1024x1x150xf32> to vector<1024x150xf32>
    %swap3A_38 = vector.shape_cast %dot_general3A_32 : vector<1024x150xf32> to vector<1024x1x150xf32>
    tpu.vector_store %arg3[%swap3A_33, %swap3A_34, %swap3A_35], %swap3A_38 {strides = array<i32>} : memref<1024x8x150xf32, #tpu.memory_space<vmem>>, vector<1024x1x150xf32>,
    %get3A_39 = arith.constant 0 : index
    %get3A_40 = arith.constant 30 : index
    %get3A_41 = vector.load %arg1[%get3A_39, %get3A_40] : memref<1024x80xf32, #tpu.memory_space<vmem>>, vector<1024x10xf32>
    %get3A_42 = arith.constant 0 : index
    %get3A_43 = arith.constant 0 : index
    %get3A_44 = vector.load %arg2[%get3A_42, %get3A_43] : memref<10x150xf32, #tpu.memory_space<vmem>>, vector<10x150xf32>
    %dot_general3A_45 = arith.constant dense<0.000000e+00> : vector<1024x150xf32>
    %dot_general3A_46 = tpu.matmul %get3A_41, %get3A_44, %dot_general3A_45 {dimension_numbers = #tpu.dot_dimension_numbers<[1], [0], [0], [1], [0, 0, 1, 1], [], []>, transpose_lhs_hint = false} : vector<1024x10xf32>, vector<10x150xf32>, vector<1024x150xf32> -> vector<1024x150xf32>
    %swap3A_47 = arith.constant 0 : index
    %swap3A_48 = arith.constant 3 : index
    %swap3A_49 = arith.constant 0 : index
    %swap3A_50 = vector.load %arg3[%swap3A_47, %swap3A_48, %swap3A_49] : memref<1024x8x150xf32, #tpu.memory_space<vmem>>, vector<1024x1x150xf32>
    %swap3A_51 = vector.shape_cast %swap3A_50 : vector<1024x1x150xf32> to vector<1024x150xf32>
    %swap3A_52 = vector.shape_cast %dot_general3A_46 : vector<1024x150xf32> to vector<1024x1x150xf32>
    tpu.vector_store %arg3[%swap3A_47, %swap3A_48, %swap3A_49], %swap3A_52 {strides = array<i32>} : memref<1024x8x150xf32, #tpu.memory_space<vmem>>, vector<1024x1x150xf32>,
    %get3A_53 = arith.constant 0 : index
    %get3A_54 = arith.constant 40 : index
    %get3A_55 = vector.load %arg1[%get3A_53, %get3A_54] : memref<1024x80xf32, #tpu.memory_space<vmem>>, vector<1024x10xf32>
    %get3A_56 = arith.constant 0 : index
    %get3A_57 = arith.constant 0 : index
    %get3A_58 = vector.load %arg2[%get3A_56, %get3A_57] : memref<10x150xf32, #tpu.memory_space<vmem>>, vector<10x150xf32>
    %dot_general3A_59 = arith.constant dense<0.000000e+00> : vector<1024x150xf32>
    %dot_general3A_60 = tpu.matmul %get3A_55, %get3A_58, %dot_general3A_59 {dimension_numbers = #tpu.dot_dimension_numbers<[1], [0], [0], [1], [0, 0, 1, 1], [], []>, transpose_lhs_hint = false} : vector<1024x10xf32>, vector<10x150xf32>, vector<1024x150xf32> -> vector<1024x150xf32>
    %swap3A_61 = arith.constant 0 : index
    %swap3A_62 = arith.constant 4 : index
    %swap3A_63 = arith.constant 0 : index
    %swap3A_64 = vector.load %arg3[%swap3A_61, %swap3A_62, %swap3A_63] : memref<1024x8x150xf32, #tpu.memory_space<vmem>>, vector<1024x1x150xf32>
    %swap3A_65 = vector.shape_cast %swap3A_64 : vector<1024x1x150xf32> to vector<1024x150xf32>
    %swap3A_66 = vector.shape_cast %dot_general3A_60 : vector<1024x150xf32> to vector<1024x1x150xf32>
    tpu.vector_store %arg3[%swap3A_61, %swap3A_62, %swap3A_63], %swap3A_66 {strides = array<i32>} : memref<1024x8x150xf32, #tpu.memory_space<vmem>>, vector<1024x1x150xf32>,
    %get3A_67 = arith.constant 0 : index
    %get3A_68 = arith.constant 50 : index
    %get3A_69 = vector.load %arg1[%get3A_67, %get3A_68] : memref<1024x80xf32, #tpu.memory_space<vmem>>, vector<1024x10xf32>
    %get3A_70 = arith.constant 0 : index
    %get3A_71 = arith.constant 0 : index
    %get3A_72 = vector.load %arg2[%get3A_70, %get3A_71] : memref<10x150xf32, #tpu.memory_space<vmem>>, vector<10x150xf32>
    %dot_general3A_73 = arith.constant dense<0.000000e+00> : vector<1024x150xf32>
    %dot_general3A_74 = tpu.matmul %get3A_69, %get3A_72, %dot_general3A_73 {dimension_numbers = #tpu.dot_dimension_numbers<[1], [0], [0], [1], [0, 0, 1, 1], [], []>, transpose_lhs_hint = false} : vector<1024x10xf32>, vector<10x150xf32>, vector<1024x150xf32> -> vector<1024x150xf32>
    %swap3A_75 = arith.constant 0 : index
    %swap3A_76 = arith.constant 5 : index
    %swap3A_77 = arith.constant 0 : index
    %swap3A_78 = vector.load %arg3[%swap3A_75, %swap3A_76, %swap3A_77] : memref<1024x8x150xf32, #tpu.memory_space<vmem>>, vector<1024x1x150xf32>
    %swap3A_79 = vector.shape_cast %swap3A_78 : vector<1024x1x150xf32> to vector<1024x150xf32>
    %swap3A_80 = vector.shape_cast %dot_general3A_74 : vector<1024x150xf32> to vector<1024x1x150xf32>
    tpu.vector_store %arg3[%swap3A_75, %swap3A_76, %swap3A_77], %swap3A_80 {strides = array<i32>} : memref<1024x8x150xf32, #tpu.memory_space<vmem>>, vector<1024x1x150xf32>,
    %get3A_81 = arith.constant 0 : index
    %get3A_82 = arith.constant 60 : index
    %get3A_83 = vector.load %arg1[%get3A_81, %get3A_82] : memref<1024x80xf32, #tpu.memory_space<vmem>>, vector<1024x10xf32>
    %get3A_84 = arith.constant 0 : index
    %get3A_85 = arith.constant 0 : index
    %get3A_86 = vector.load %arg2[%get3A_84, %get3A_85] : memref<10x150xf32, #tpu.memory_space<vmem>>, vector<10x150xf32>
    %dot_general3A_87 = arith.constant dense<0.000000e+00> : vector<1024x150xf32>
    %dot_general3A_88 = tpu.matmul %get3A_83, %get3A_86, %dot_general3A_87 {dimension_numbers = #tpu.dot_dimension_numbers<[1], [0], [0], [1], [0, 0, 1, 1], [], []>, transpose_lhs_hint = false} : vector<1024x10xf32>, vector<10x150xf32>, vector<1024x150xf32> -> vector<1024x150xf32>
    %swap3A_89 = arith.constant 0 : index
    %swap3A_90 = arith.constant 6 : index
    %swap3A_91 = arith.constant 0 : index
    %swap3A_92 = vector.load %arg3[%swap3A_89, %swap3A_90, %swap3A_91] : memref<1024x8x150xf32, #tpu.memory_space<vmem>>, vector<1024x1x150xf32>
    %swap3A_93 = vector.shape_cast %swap3A_92 : vector<1024x1x150xf32> to vector<1024x150xf32>
    %swap3A_94 = vector.shape_cast %dot_general3A_88 : vector<1024x150xf32> to vector<1024x1x150xf32>
    tpu.vector_store %arg3[%swap3A_89, %swap3A_90, %swap3A_91], %swap3A_94 {strides = array<i32>} : memref<1024x8x150xf32, #tpu.memory_space<vmem>>, vector<1024x1x150xf32>,
    %get3A_95 = arith.constant 0 : index
    %get3A_96 = arith.constant 70 : index
    %get3A_97 = vector.load %arg1[%get3A_95, %get3A_96] : memref<1024x80xf32, #tpu.memory_space<vmem>>, vector<1024x10xf32>
    %get3A_98 = arith.constant 0 : index
    %get3A_99 = arith.constant 0 : index
    %get3A_100 = vector.load %arg2[%get3A_98, %get3A_99] : memref<10x150xf32, #tpu.memory_space<vmem>>, vector<10x150xf32>
    %dot_general3A_101 = arith.constant dense<0.000000e+00> : vector<1024x150xf32>
    %dot_general3A_102 = tpu.matmul %get3A_97, %get3A_100, %dot_general3A_101 {dimension_numbers = #tpu.dot_dimension_numbers<[1], [0], [0], [1], [0, 0, 1, 1], [], []>, transpose_lhs_hint = false} : vector<1024x10xf32>, vector<10x150xf32>, vector<1024x150xf32> -> vector<1024x150xf32>
    %swap3A_103 = arith.constant 0 : index
    %swap3A_104 = arith.constant 7 : index
    %swap3A_105 = arith.constant 0 : index
    %swap3A_106 = vector.load %arg3[%swap3A_103, %swap3A_104, %swap3A_105] : memref<1024x8x150xf32, #tpu.memory_space<vmem>>, vector<1024x1x150xf32>
    %swap3A_107 = vector.shape_cast %swap3A_106 : vector<1024x1x150xf32> to vector<1024x150xf32>
    %swap3A_108 = vector.shape_cast %dot_general3A_102 : vector<1024x150xf32> to vector<1024x1x150xf32>
    tpu.vector_store %arg3[%swap3A_103, %swap3A_104, %swap3A_105], %swap3A_108 {strides = array<i32>} : memref<1024x8x150xf32, #tpu.memory_space<vmem>>, vector<1024x1x150xf32>,
    return
  }
  func.func @transform_0(%arg0: i32) -> (i32, i32) {
    %c0_i32 = arith.constant 0 : i32
    %c0_i32_0 = arith.constant 0 : i32
    return %arg0, %c0_i32 : i32, i32
  }
  func.func @transform_1(%arg0: i32) -> (i32, i32) {
    %c0_i32 = arith.constant 0 : i32
    %c0_i32_0 = arith.constant 0 : i32
    %c0_i32_1 = arith.constant 0 : i32
    return %c0_i32, %c0_i32_0 : i32, i32
  }
  func.func @transform_2(%arg0: i32) -> (i32, i32, i32) {
    %c0_i32 = arith.constant 0 : i32
    %c0_i32_0 = arith.constant 0 : i32
    %c0_i32_1 = arith.constant 0 : i32
    return %arg0, %c0_i32, %c0_i32_0 : i32, i32, i32
  }
}

</mosaic_0001>

<sc_bundles>
// kernel: sparse-core-data-format-call.cloned.1.call-start
scs
called_computation_lowered:
.L_overlay_start_0:
0x0: {  	s2 =	sld [smem:$0x3FD9]  }
0x1: {  	s3 =	sld [smem:$0x3FFE];
	_ =	sdelay $0x1  }
0x2: {  	s1 =	srdreg.scid  }
0x3: {  	s0 =	sand.u32 $0x1, s1  }
0x4: {  	s18 =	sshll.u32 s0, $0xA;
	s2 =	sadd.s32 s3, s2  }
0x5: {  	s2 =	sadd.s32 s2, s18  }
0x6: {  	[smem:$0x3FC6] =	sst s2  }
0x7: {  	_ = 	snop  }
0x8: {  	s2 =	sld [smem:$0x3FD0];
	(tm) =	ssettm $0x1  }
0x9: {  	s19 =	sld [smem:$0x3FFB];
	_ =	sdelay $0x3  }
0xa: {  	_ =	strace s19  }
0xb: {  	s3 =	sld [smem:$0x3FFC];
	_ =	sdelay $0x3  }
0xc: {  	_ =	strace s3  }
0xd: {  	s3 =	sld [smem:$0x3FFD];
	_ =	sdelay $0x3  }
0xe: {  	_ =	strace s3  }
0xf: {  	_ =	strace $0x8FFFFFFF  }
0x10: {  	s20 =	sld [smem:$0x3FDB];
	_ =	sdelay $0x1  }
0x11: {  	s4 =	simm.s32 $_scs_section_size  }
0x12: {  	s5 =	simm.s32 $_size__tile_overlayer_lowered;
	s6 =	simm.s32 $_tile_overlayer_lowered  }
0x13: {  	s23 =	simm.s32 $0x1BFF;
	s22 =	sshll.u32 s6, $0x1;
	s3 =	sadd.s32 s4, s20  }
0x14: {  	s7 =	simm.s32 $0x0;
	s21 =	sshll.u32 s5, $0x1;
	s5 =	sadd.s32 s22, s3  }
0x15: {  	[timem:s7], [sflag:s23] =	dma.local [hbm:s5], s21  }
0x16: {  	_ =	swait.ge [sflag:s23], s21  }
0x17: {  	s4 =	ssub.s32 $0x0, s21;
	[sflag:s23] =	ssyncset.done $0x0  }
0x18: {  	[sflag:s23] =	ssyncadd.s32 s4;
	_ =	sdelay $0x1  }
0x19: {  	s24 =	simm.s32 $0x1B8B  }
0x1a: {  	_ =	swait.ge [sflag:s24], $0x1  }
0x1b: {  	[sflag:s24] =	ssyncset.done $0x0  }
0x1c: {  	s26 =	simm.s32 $0x1B8E;
	s25 =	sld [smem:$0x3FFE];
	[sflag:s24] =	ssyncadd.s32 $0xFFFFFFFF  }
0x1d: {  	s27 =	simm.s32 $execute0_lowered;
	[smem:$0x3FD2] =	sst s26  }
0x1e: {  	s5 =	sshll.u32 s27, $0x1;
	_ =	strace $0x80000046;
	[dreg:$0x1] =	wrdreg $0xFFFFFFFF  }
0x1f: {  	s28 =	simm.s32 $_size_execute0_lowered;
	s3 =	sadd.s32 s3, s5;
	[dreg:$0x0] =	wrdreg $0x0  }
0x20: {  	s5 =	sshll.u32 s28, $0x1;
	[dreg:$0x2] =	wrdreg s3  }
0x21: {  	[dreg:$0x3] =	wrdreg s5  }
0x22: {  	[dreg:$0x4] =	wrdreg $0xC0  }
0x23: {  	_ =	task [dreg:s7], $0x5FFFF  }
0x24: {  	[dreg:$0x1] =	wrdreg $0xFFFFFFFF  }
0x25: {  	[dreg:$0x0] =	wrdreg $0x60  }
0x26: {  	[dreg:$0x2] =	wrdreg s25  }
0x27: {  	[dreg:$0x3] =	wrdreg s2  }
0x28: {  	[dreg:$0x4] =	wrdreg $0x9  }
0x29: {  	_ =	task.clear_ibuf [dreg:s7], $0x5FFFF;
	_ =	strace $0x90000046  }
0x2a: {  	s29 =	simm.s32 $0x9;
	_ =	strace $0x80000048  }
0x2b: {  	_ =	swait.ge [sflag:s29], $0x1  }
0x2c: {  	[sflag:s29] =	ssyncadd.s32 $0xFFFFFFFF  }
0x2d: {  	_ =	strace $0x90000048  }
0x2e: {  	_ =	sfence  }
0x2f: {  	s30 =	sld [smem:$0x0];
	_ =	sdelay $0x2  }
0x30: {  	s31 =	sshll.u32 s1, $0xD;
	s1 =	sshrl.u32 s1, $0x2  }
0x31: {  	s3 =	sand.u32 $0x4000, s31;
	s1 =	sadd.s32 s1, s30  }
0x32: {  	s0 =	sor.u32 s3, s0;
	s1 =	sshll.u32 s1, $0x11  }
0x33: {  	s0 =	sor.u32 s1, s0  }
0x34: {  	s0 =	sadd.s32 $0x8F2B, s0  }
0x35: {  	[sflag:s0] =	ssyncadd.remote.s32 $0x1  }
0x36: {  	_ =	sfence.sel $0xFFFF  }
0x37: {  	[dreg:$0x0] =	wrdreg $0xFFFFFFFF;
	(pc) =	sbr.abs _section_cstart, $3  }
0x38: {  	[dreg:$0x1] =	wrdreg $0xFFFFFFFF  }
0x39: {  	_ =	task.clear_ibuf [dreg:s7], $0x2FFFF;
	_ =	strace $0x9FFFFFFF  }
0x3a: {  	(tm) =	ssettm $0x7FFFFFFF  }
0x3b: {  	_ =	shalt  }
tec
execute0_lowered:
.L_overlay_start_1:
0x0: {  	(tag) =	ssettag $0x1  }
0x1: {  	s5 =	rddreg [dreg:$0x0]  }
0x2: {  	s0 =	srdreg.scid;
	s3 =	rddreg [dreg:$0x1];
	s7 =	simm.s32 $0x1  }
0x3: {  	s8 =	simm.s32 $0x2;
	s15 =	simm.s32 $0x0;
	s1 =	sshll.u32 s0, $0x4  }
0x4: {  	s14 =	simm.s32 $0x0;
	s0 =	stileid.u32;
	s1 =	sand.u32 $0x10, s1  }
0x5: {  	s9 =	simm.s32 $0x0;
	s10 =	simm.s32 $0x0;
	s1 =	sor.u32 s0, s1  }
0x6: {  	s11 =	simm.s32 $0x0;
	s13 =	simm.s32 $0x0;
	s2 =	sshll.u32 s1, $0x7  }
0x7: {  	s5 =	sadd.s32 $0x600, s5;
	s1 =	rddreg [dreg:$0x2];
	s6 =	ssub.s32 $0x10000, s2  }
.Ltmp0:
0x8: {  	_ =	strace $0x80000047;
	s4 =	sand.u32 $0xF80, s6;
	(pc) =	sbr.rel .LBB1_1-.Ltmp0, $4  }
0x9: {  	s12 =	smov.u32 s2;
	p0 =	sne.s32 s4, $0x0;
	s4 =	simm.s32 $0x1  }
0xa: {  	s6 =	sshrl.u32 s6, $0xC;
	s7 =	simm.s32 @!p0 $0x0;
	[sflag:s4] =	ssyncpa.u1 $0x0  }
0xb: {  	p0 =	por $0x0, $0x0;
	s7 =	sadd.s32 s7, s6;
	[sflag:s8] =	ssyncpa.u1 $0x0  }
0xc: {  	s8 =	simm.s32 $0x80000;
	s6 =	sshll.u32 s7, $0x1;
	s7 =	sshllo.u32 s7, $0x1  }
.LBB1_4:
0xd: {  	s21 =	sshll.u32 s9, $0x10;
	s22 =	sshll.u32 s10, $0x3;
	s20 =	sshra.s32 s20, $0x2  }
0xe: {  	s28 =	sand.u32 $0x78, s10;
	s29 =	sshll.u32 s9, $0x7;
	p1 =	sgt.s32 s9, $0x18  }
0xf: {  	s25 =	sshra.s32 s9, $0x1F;
	s31 =	sshra.s32 s10, $0x1F;
	s21 =	sand.u32 $0xFFF80000, s21  }
0x10: {  	s23 =	sand.u32 $0xFFFFFC00, s22;
	s19 =	sadd.s32 s20, s19;
	s22 =	sand.u32 $0xFC00, s22  }
0x11: {  	v5 =	vld [tilespmem:s17+$0xFFFFFFD0];
	[tilespmem:s18+$0x2040 ss:$0x81] =	vst.msk $0xffff, v4;
	s25 =	sand.u32 s25, s9;
	s27 =	sadd.s32 s23, s21;
	s23 =	sand.u32 $0x380, s29  }
0x12: {  	v58 =	vld [tilespmem:s17+$0xFFFFFFE0];
	[tilespmem:s18+$0x2850 ss:$0x81] =	vst.msk $0xffff, v3;
	s21 =	sor.u32 s28, s22;
	s22 =	smov.u32 s9;
	s20 =	sshrl.u32 s27, $0x10  }
0x13: {  	v59 =	vld [tilespmem:s17+$0xFFFFFFF0];
	[tilespmem:s18+$0x3060 ss:$0x81] =	vst.msk $0xffff, v2;
	s22 =	simm.s32 @!p1 $0x18;
	p1 =	sgt.s32 s10, $0xFF80;
	s24 =	smul.u32 $0xD795, s20  }
0x14: {  	v60 =	vld [tilespmem:s17+$0x0];
	[tilespmem:s18+$0x0 ss:$0x81] =	vst.msk $0xffff, v1;
	s21 =	sor.u32 s23, s21;
	s30 =	ssub.s32 s22, s25;
	s22 =	smov.u32 s10  }
0x15: {  	v61 =	vld [tilespmem:s17+$0x10];
	[tilespmem:s19+$0x3870 ss:$0x81] =	vst.msk $0xffff, v0;
	s25 =	sand.u32 s31, s10;
	s22 =	simm.s32 @!p1 $0xFF80;
	s24 =	sshrl.u32 s24, $0x17  }
0x16: {  	v62 =	vld [tilespmem:s17+$0x20];
	[tilespmem:s19+$0x810 ss:$0x81] =	vst.msk $0xffff, v5;
	s26 =	sadd.s32 $0xFFFFFFE8, s30;
	s22 =	ssub.s32 s22, s25;
	s24 =	smul.u32 $0x98, s24  }
0x17: {  	v63 =	vld [tilespmem:s17+$0xFFFFFFC0];
	[tilespmem:s19+$0x1020 ss:$0x81] =	vst.msk $0xffff, v58;
	s18 =	ssub.s32 $0x98, s30;
	p1 =	sgt.s32 s26, $0x7F;
	s28 =	sadd.s32 $0xFFFF0080, s22  }
0x18: {  	[tilespmem:s19+$0x1830 ss:$0x81] =	vst.msk $0xffff, v59;
	p2 =	sgt.s32 s28, $0x7F;
	s27 =	ssub.s32 s20, s24;
	s20 =	ssub.s32 $0x10000, s22  }
0x19: {  	s29 =	sshrl.u32 s21, $0x3;
	[tilespmem:s19+$0x2040 ss:$0x81] =	vst.msk $0xffff, v60;
	s18 =	simm.s32 @p1 $0x0;
	s20 =	simm.s32 @p2 $0x0  }
0x1a: {  	[tilespmem:s19+$0x2850 ss:$0x81] =	vst.msk $0xffff, v61;
	s30 =	sand.u32 $0x7, s10;
	s17 =	sand.u32 $0xFFFF, s27;
	s18 =	smul.u32 s20, s18  }
0x1b: {  	[tilespmem:s19+$0x3060 ss:$0x81] =	vst.msk $0xffff, v62;
	s21 =	sshll.u32 s30, $0x12;
	s17 =	sshll.u32 s17, $0xD;
	s20 =	sadd.s32 s3, s29  }
0x1c: {  	[tilespmem:s19+$0x0 ss:$0x81] =	vst.msk $0xffff, v63;
	s31 =	sor.u32 $0x400, s21;
	s17 =	sadd.s32 s17, s20;
	s18 =	sand.u32 $0x3FFFFFFF, s18  }
0x1d: {  	[hbm4b:s17+s31] =	stream.strided.scatter [tilespmem:s16], [sflag:$0x2], s18, s8, s31, $0x20;
	[tilespmem:$0x10100] =	vst v63  }
.LBB1_5:
0x1e: {  	p1 =	slt.u32 s13, $0x2  }
0x1f: {  	s17 =	smov.u32 s15;
	p2 =	sgt.s32 @!p1 s15, $0x18;
	s16 =	sshra.s32 @!p1 s15, $0x1F  }
0x20: {  	p3 =	sgt.s32 @!p1 s14, $0xFF80;
	s18 =	sshra.s32 @!p1 s14, $0x1F;
	p2 =	por !p2, p1  }
0x21: {  	s15 =	sand.u32 @!p1 s16, s15;
	p3 =	por !p3, p1;
	s16 =	smov.u32 s14  }
0x22: {  	s14 =	sand.u32 @!p1 s18, s14;
	s17 =	simm.s32 @p2 $0x18;
	s16 =	simm.s32 @p3 $0xFF80  }
0x23: {  	s15 =	ssub.s32 @!p1 s17, s15;
	s14 =	ssub.s32 @!p1 s16, s14  }
0x24: {  	s18 =	smov.u32 s12;
	s16 =	sadd.s32 @!p1 $0xFFFFFFE8, s15;
	s17 =	sadd.s32 @!p1 $0xFFFF0080, s14  }
0x25: {  	s15 =	ssub.s32 @!p1 $0x98, s15;
	p2 =	sgt.s32 @!p1 s16, $0x7F;
	p3 =	sgt.s32 @!p1 s17, $0x7F  }
0x26: {  	s14 =	ssub.s32 @!p1 $0x10000, s14;
	p2 =	por !p2, p1;
	p3 =	por !p3, p1  }
0x27: {  	s16 =	sadd.s32 $0x80, s11;
	s15 =	simm.s32 @!p2 $0x0;
	s14 =	simm.s32 @!p3 $0x0  }
0x28: {  	p2 =	sgt.s32 s16, $0x95;
	s14 =	smul.u32 @!p1 s14, s15;
	s15 =	sadd.s32 $0x1000, s12  }
0x29: {  	s18 =	smov.u32 @p2 s15  }
0x2a: {  	s16 =	simm.s32 @p2 $0x0;
	p2 =	sgt.s32 s18, $0xFFFF  }
0x2b: {  	s18 =	smov.u32 @p2 s2;
	p2 =	sne.s32 s13, s7  }
.Ltmp1:
0x2c: {  	p0 =	por !p0, !p0;
	s17 =	simm.s32 @!p1 $0x2;
	(pc) =	sbr.rel @!p2 .LBB1_6-.Ltmp1, $4  }
0x2d: {  	s15 =	smov.u32 s9;
	s9 =	smov.u32 s11;
	s14 =	sand.u32 @!p1 $0x3FFFFFFF, s14  }
0x2e: {  	s11 =	smov.u32 s16;
	_ =	swait.ge @!p1 [sflag:s17], s14;
	s19 =	ssub.s32 @!p1 $0x0, s14  }
0x2f: {  	s14 =	smov.u32 s10;
	s13 =	sadd.s32 $0x1, s13;
	[sflag:s17] =	ssyncset.done @!p1 $0x0  }
0x30: {  	s10 =	smov.u32 s12;
	s12 =	smov.u32 s18;
	[sflag:s17] =	ssyncadd.s32 @!p1 s19  }
.LBB1_1:
0x31: {  	p1 =	sge.u32 s13, s6  }
0x32: {  	s31 =	sadd.s32 $0xFFFFFFFF, s13;
	s16 =	sshll.u32 @!p1 s12, $0x8  }
0x33: {  	s17 =	sshll.u32 @!p1 s11, $0x3;
	s18 =	sshll.u32 @!p1 s12, $0x7;
	s16 =	sand.u32 @!p1 $0xFFF800, s16  }
0x34: {  	s19 =	sand.u32 @!p1 $0x78, s11;
	s16 =	sadd.s32 @!p1 s16, s17;
	s17 =	sand.u32 @!p1 $0x380, s18  }
0x35: {  	s18 =	sxor.u32 @!p1 $0xFFFFFFFF, s13;
	s16 =	sand.u32 @!p1 $0xFFFC00, s16;
	s17 =	sor.u32 @!p1 s17, s19  }
0x36: {  	s18 =	sshll.u32 @!p1 s18, $0xE;
	s16 =	sor.u32 @!p1 s16, s17;
	s17 =	sand.u32 @!p1 $0x7, s11  }
0x37: {  	s19 =	simm.s32 @!p1 $0x800;
	s16 =	sshrl.u32 @!p1 s16, $0x3;
	s17 =	sshll.u32 @!p1 s17, $0x12  }
0x38: {  	s18 =	sand.u32 @!p1 $0x4000, s18;
	s16 =	sadd.s32 @!p1 s5, s16;
	s17 =	sor.u32 @!p1 $0x400, s17  }
0x39: {  	[tilespmem:s18], [sflag:$0x1] =	stream.strided.gather @!p1 [hbm4b:s16+s17], $0x4000, s19, s17, $0x38;
	[tilespmem:$0x10100] =	vst v63  }
0x3a: {  	p1 =	sge.u32 s31, s6  }
.Ltmp2:
0x3b: {  	_ = 	snop;
	(pc) =	sbr.rel @p1 .LBB1_5-.Ltmp2, $1  }
0x3c: {  	_ =	sdelay $0x3  }
0x3d: {  	s16 =	simm.s32 $0x1  }
0x3e: {  	_ =	swait.ge [sflag:s4], $0x4000;
	s16 =	simm.s32 @!p0 $0x0  }
0x3f: {  	[sflag:s4] =	ssyncset.done $0x0;
	s17 =	sshll.u32 s16, $0xE  }
0x40: {  	[sflag:s4] =	ssyncadd.s32 $0xFFFFC000;
	s17 =	sor.u32 $0x40, s17  }
0x41: {  	s16 =	smul.u32 $0x10200, s16;
	v0 =	vld [tilespmem:s17+$0x30]  }
0x42: {  	v1 =	vld [tilespmem:s17+$0xFFFFFFD0]  }
0x43: {  	s16 =	sshrl.u32 s16, $0x2;
	v5 =	vld [tilespmem:s17+$0xFFFFFFE0]  }
0x44: {  	v6 =	vld [tilespmem:s17+$0xFFFFFFF0];
	s19 =	sor.u32 $0x8000, s16  }
0x45: {  	s31 =	sand.u32 $0x1, s13;
	v4 =	vld [tilespmem:s17+$0x0];
	s18 =	sadd.s32 $0x0, s19  }
0x46: {  	v3 =	vld [tilespmem:s17+$0x10];
	s16 =	smul.u32 $0x10200, s31;
	[tilespmem:s18+$0x3870 ss:$0x81] =	vst.msk $0xffff, v0  }
0x47: {  	v2 =	vld [tilespmem:s17+$0x20];
	[tilespmem:s18+$0x810 ss:$0x81] =	vst.msk $0xffff, v1  }
0x48: {  	s16 =	sshrl.u32 s16, $0x2;
	v1 =	vld [tilespmem:s17+$0xFFFFFFC0];
	[tilespmem:s18+$0x1020 ss:$0x81] =	vst.msk $0xffff, v5;
	s17 =	sadd.s32 $0x80, s17  }
0x49: {  	s20 =	simm.s32 $0x4;
	s21 =	simm.s32 $0x8;
	s16 =	sor.u32 $0x8000, s16;
	[tilespmem:s18+$0x1830 ss:$0x81] =	vst.msk $0xffff, v6;
	v0 =	vld [tilespmem:s17+$0x30]  }
.LBB1_3:
0x4a: {  	p1 =	sne.s32 s21, $0x1FC;
	v5 =	vld [tilespmem:s17+$0xFFFFFFD0];
	[tilespmem:s18+$0x2040 ss:$0x81] =	vst.msk $0xffff, v4  }
0x4b: {  	v6 =	vld [tilespmem:s17+$0xFFFFFFE0];
	[tilespmem:s18+$0x2850 ss:$0x81] =	vst.msk $0xffff, v3  }
0x4c: {  	s22 =	sshra.s32 s20, $0x2;
	s20 =	smov.u32 s21;
	v7 =	vld [tilespmem:s17+$0xFFFFFFF0];
	[tilespmem:s18+$0x3060 ss:$0x81] =	vst.msk $0xffff, v2  }
.Ltmp3:
0x4d: {  	v4 =	vld [tilespmem:s17+$0x0];
	[tilespmem:s18+$0x0 ss:$0x81] =	vst.msk $0xffff, v1;
	s18 =	sadd.s32 s22, s19;
	(pc) =	sbr.rel @p1 .LBB1_3-.Ltmp3, $4  }
0x4e: {  	v3 =	vld [tilespmem:s17+$0x10];
	[tilespmem:s18+$0x3870 ss:$0x81] =	vst.msk $0xffff, v0  }
0x4f: {  	[tilespmem:s18+$0x810 ss:$0x81] =	vst.msk $0xffff, v5;
	v2 =	vld [tilespmem:s17+$0x20]  }
0x50: {  	v1 =	vld [tilespmem:s17+$0xFFFFFFC0];
	[tilespmem:s18+$0x1020 ss:$0x81] =	vst.msk $0xffff, v6;
	s17 =	sadd.s32 $0x80, s17  }
0x51: {  	s21 =	sadd.s32 $0x4, s21;
	v0 =	vld [tilespmem:s17+$0x30];
	[tilespmem:s18+$0x1830 ss:$0x81] =	vst.msk $0xffff, v7  }
.Ltmp4:
0x52: {  	_ = 	snop;
	(pc) =	sbr.rel .LBB1_4-.Ltmp4, $1  }
0x53: {  	_ =	sdelay $0x3  }
.LBB1_6:
0x54: {  	_ =	sfence.sel $0x180000  }
0x55: {  	s2 =	simm.s32 $0x1;
	[bflag:$0x0] =	sbarrier.arrive $0xFFFF  }
0x56: {  	s31 =	simm.s32 $0x2;
	[sflag:s2] =	ssyncpa.u1 $0x1  }
0x57: {  	[sflag:s31] =	ssyncpa.u1 $0x1  }
0x58: {  	p0 =	sne.s32 s0, $0x0;
	_ =	strace $0x90000047  }
0x59: {  	s0 =	sadd.s32 @!p0 $0x100000, s1;
	[bflag:$0x2] =	sbarrier.arrive $0xFFFF  }
0x5a: {  	[sflag:s0] =	ssyncadd.tile.s32 @!p0 $0x1;
	_ =	shalt  }
.Lfunc_end1:
_tile_overlayer_lowered:
.L_overlay_start_2:
0x5b: {  	(tag) =	ssettag $0x2  }
0x5c: {  	s0 =	rddreg [dreg:$0x0];
	s2 =	stileid.u32  }
0x5d: {  	s1 =	rddreg [dreg:$0x1];
	p0 =	sne.s32 s2, $0x0  }
0x5e: {  	s3 =	rddreg [dreg:$0x2];
	[bflag:$0x3] =	sbarrier.arrive $0xFFFF;
	s2 =	simm.s32 @!p0 $0x1C01  }
0x5f: {  	[timem:s3], [sflag:s2] =	dma.local @!p0 [hbm:s0], s1  }
0x60: {  	s0 =	simm.s32 @!p0 $0x1  }
0x61: {  	_ =	swait.ge @!p0 [sflag:s0], s1  }
0x62: {  	s1 =	ssub.s32 @!p0 $0x0, s1;
	[sflag:s0] =	ssyncset.done @!p0 $0x0  }
0x63: {  	[sflag:s0] =	ssyncadd.s32 @!p0 s1  }
0x64: {  	[bflag:$0x3] =	sbarrier.arrive $0xFFFF  }
0x65: {  	_ =	shalt  }

</sc_bundles>
